<compile_context>
chip_gen: v7x
topology: tpu7x:2x2x1
jax: 0.10.2.dev20260603
libtpu: 0.0.44.dev20260713+nightly
codegen_flags: <defaults>
</compile_context>

<pallas_src>
import functools

import jax
import jax.numpy as jnp
from jax import lax
from jax.experimental import pallas as pl
from jax.experimental.pallas import tpu as pltpu
from jax.experimental.pallas import tpu_sc as plsc

_T = 100000
_D = 128
_L = 16
_MAX_NORM = 1.0


def _rsqrt16(x):
    i = plsc.bitcast(x, jnp.int32)
    y = plsc.bitcast(jnp.int32(0x5F3759DF) - (i >> 1), jnp.float32)
    for _ in range(3):
        y = y * (1.5 - 0.5 * x * y * y)
    return y


def _splat_sum(v):
    lane = lax.iota(jnp.int32, _L)
    for k in (8, 4, 2, 1):
        v = v + v.at[lane ^ k].get(mode="promise_in_bounds")
    return v


def _body(t_hbm, table_hbm, out_hbm, t_v, idx_v, rows_v, out_v, sem):
    lane = lax.iota(jnp.int32, _L)
    pltpu.async_copy(t_hbm.at[lane * 0], t_v, sem).wait()
    t16 = t_v[...]

    time = (t16 + 1.0) / 2.0 * float(_T - 1)
    t0 = time.astype(jnp.int32)
    alpha = time - t0.astype(jnp.float32)
    idx = jnp.minimum(t0 + jnp.minimum(lane, 1), _T - 1)
    idx_v[...] = idx
    pltpu.async_copy(table_hbm.at[idx_v.at[pl.ds(0, 2)]], rows_v, sem).wait()

    chunks0, chunks1 = [], []
    acc0 = jnp.zeros((_L,), jnp.float32)
    acc1 = jnp.zeros((_L,), jnp.float32)
    for c in range(_D // _L):
        ch0 = rows_v[0, pl.ds(c * _L, _L)]
        ch1 = rows_v[1, pl.ds(c * _L, _L)]
        chunks0.append(ch0)
        chunks1.append(ch1)
        acc0 = acc0 + ch0 * ch0
        acc1 = acc1 + ch1 * ch1
    scale0 = jnp.minimum(_MAX_NORM, _rsqrt16(_splat_sum(acc0)))
    scale1 = jnp.minimum(_MAX_NORM, _rsqrt16(_splat_sum(acc1)))

    for c in range(_D // _L):
        e0 = chunks0[c] * scale0
        e1 = chunks1[c] * scale1
        out_v[0, pl.ds(c * _L, _L)] = e0 + alpha * (e1 - e0)
    pltpu.sync_copy(out_v, out_hbm)


_sc_lerp = functools.partial(
    pl.kernel,
    out_type=jax.ShapeDtypeStruct((1, _D), jnp.float32),
    mesh=plsc.VectorSubcoreMesh(
        core_axis_name="c", subcore_axis_name="s", num_cores=1, num_subcores=1
    ),
    scratch_types=[
        pltpu.VMEM((_L,), jnp.float32),
        pltpu.VMEM((_L,), jnp.int32),
        pltpu.VMEM((2, _D), jnp.float32),
        pltpu.VMEM((1, _D), jnp.float32),
        pltpu.SemaphoreType.DMA,
    ],
    compiler_params=pltpu.CompilerParams(needs_layout_passes=False),
)(_body)


def kernel(t, time_emb_weight):
    return _sc_lerp(t, time_emb_weight)

# --- scband reference (transcript-rebuilt; emitter-appended) ---
"""Pipeline reference for scband-time-latent-module-18683107738275 (READ-ONLY COPY).

The authoritative reference and input builder live on the scoring server;
editing this copy changes nothing except your own understanding.
"""

import jax, jax.numpy as jnp
import numpy as np

T = 100000
D = 128
MAX_NORM = 1.0


def setup_inputs(seed: int = 0) -> dict:
    key = jax.random.key(seed)
    k1, k2 = jax.random.split(key)
    # t is a scalar-ish float in [0, 1) (within the expected [-1, 1] range)
    t = jax.random.uniform(k1, (1,), dtype=jnp.float32)
    # learned embedding table (nn.Embedding weight), N(0,1) init like torch
    time_emb_weight = jax.random.normal(k2, (T, D), dtype=jnp.float32)
    return {"t": t, "time_emb_weight": time_emb_weight}


def _renorm_lookup(table, idx, max_norm):
    # torch nn.Embedding(max_norm=...) renormalizes looked-up rows whose
    # L2 norm exceeds max_norm down to max_norm.
    rows = jnp.take(table, idx, axis=0)  # [1, D]
    norms = jnp.linalg.norm(rows, axis=-1, keepdims=True)
    scale = jnp.minimum(1.0, max_norm / jnp.maximum(norms, 1e-7))
    return rows * scale


def reference(t, time_emb_weight):
    num_frames = T
    time = (t + 1.0) / 2.0 * (num_frames - 1)          # [1]
    t0 = jnp.floor(time).astype(jnp.int32)             # [1] (int -> no grad)
    t1 = jnp.minimum(t0 + 1, num_frames - 1)           # [1]
    alpha = time - t0.astype(time.dtype)                # [1]
    e0 = _renorm_lookup(time_emb_weight, t0, MAX_NORM)  # [1, D]
    e1 = _renorm_lookup(time_emb_weight, t1, MAX_NORM)  # [1, D]
    # torch.lerp(e0, e1, alpha) = e0 + alpha * (e1 - e0)
    return e0 + alpha[:, None] * (e1 - e0)

if __name__ == "__main__":
    import jax
    _d = setup_inputs()
    print(jax.jit(kernel)(*tuple(_d.values())))

</pallas_src>

<mosaic_0001>
#map = affine_map<(d0, d1) -> (0)>
#map1 = affine_map<(d0, d1) -> (0, 0)>
module attributes {stable_mosaic.version = 14 : i64} {
  func.func @_body(%arg0: i32, %arg1: i32, %arg2: memref<1xf32, #tpu.memory_space<hbm>>, %arg3: memref<100000x128xf32, #tpu.memory_space<hbm>>, %arg4: memref<1x128xf32, #tpu.memory_space<hbm>>, %arg5: memref<16xf32, #tpu.memory_space<vmem>>, %arg6: memref<16xi32, #tpu.memory_space<vmem>>, %arg7: memref<2x128xf32, #tpu.memory_space<vmem>>, %arg8: memref<1x128xf32, #tpu.memory_space<vmem>>, %arg9: memref<!tpu.dma_semaphore, #tpu.memory_space<semaphore_mem>>) attributes {dimension_semantics = [#tpu.dimension_semantics<core_parallel>, #tpu.dimension_semantics<subcore_parallel>], iteration_bounds = array<i64: 1, 1>, scalar_prefetch = 0 : i64, scratch_operands = 5 : i64, tpu.core_type = #tpu.core_type<sc_vector_subcore>, window_params = [{transform_indices = #map}, {transform_indices = #map1}, {transform_indices = #map1}]} {
    %iota3A = tpu.iota {dimensions = array<i32: 0>} : vector<16xi32>
    %mul3A = arith.constant 0 : i32
    %mul3A_0 = vector.broadcast %mul3A : i32 to vector<16xi32>
    %mul3A_1 = arith.muli %iota3A, %mul3A_0 : vector<16xi32>
    %dma_start3A = arith.constant 0 : i32
    %dma_start3A_2 = tpu.memref_slice %arg2[%dma_start3A] : memref<1xf32, #tpu.memory_space<hbm>> -> memref<1xf32, #tpu.memory_space<hbm>>
    tpu.enqueue_indirect_dma source(%dma_start3A_2 : memref<1xf32, #tpu.memory_space<hbm>>) target(%arg5 : memref<16xf32, #tpu.memory_space<vmem>>) offsets(%mul3A_1 : vector<16xi32>) semaphore(%arg9 : memref<!tpu.dma_semaphore, #tpu.memory_space<semaphore_mem>>)
    %dma_wait3A = arith.constant 0 : i32
    %dma_wait3A_3 = tpu.memref_slice %arg2[%dma_wait3A] : memref<1xf32, #tpu.memory_space<hbm>> -> memref<1xf32, #tpu.memory_space<hbm>>
    tpu.wait_indirect_dma semaphore(%arg9 : memref<!tpu.dma_semaphore, #tpu.memory_space<semaphore_mem>>) src(%dma_wait3A_3 : memref<1xf32, #tpu.memory_space<hbm>>) dst(%arg5 : memref<16xf32, #tpu.memory_space<vmem>>)
    %get3A = arith.constant 0 : index
    %get3A_4 = tpu.vector_load %arg5[%get3A] {strides = array<i32>} : memref<16xf32, #tpu.memory_space<vmem>>, vector<16xf32>,
    %add3A = arith.constant 1.000000e+00 : f32
    %add3A_5 = vector.broadcast %add3A : f32 to vector<16xf32>
    %add3A_6 = arith.addf %get3A_4, %add3A_5 : vector<16xf32>
    %div3A = arith.constant 2.000000e+00 : f32
    %div3A_7 = vector.broadcast %div3A : f32 to vector<16xf32>
    %div3A_8 = arith.divf %add3A_6, %div3A_7 : vector<16xf32>
    %mul3A_9 = arith.constant 9.999900e+04 : f32
    %mul3A_10 = vector.broadcast %mul3A_9 : f32 to vector<16xf32>
    %mul3A_11 = arith.mulf %div3A_8, %mul3A_10 : vector<16xf32>
    %convert_element_type3A = arith.fptosi %mul3A_11 : vector<16xf32> to vector<16xi32>
    %convert_element_type3A_12 = arith.sitofp %convert_element_type3A : vector<16xi32> to vector<16xf32>
    %sub3A = arith.subf %mul3A_11, %convert_element_type3A_12 : vector<16xf32>
    %min3A = arith.constant 1 : i32
    %min3A_13 = vector.broadcast %min3A : i32 to vector<16xi32>
    %min3A_14 = arith.minsi %iota3A, %min3A_13 : vector<16xi32>
    %add3A_15 = arith.addi %convert_element_type3A, %min3A_14 : vector<16xi32>
    %min3A_16 = arith.constant 99999 : i32
    %min3A_17 = vector.broadcast %min3A_16 : i32 to vector<16xi32>
    %min3A_18 = arith.minsi %add3A_15, %min3A_17 : vector<16xi32>
    %swap3A = arith.constant 0 : index
    %swap3A_19 = tpu.vector_load %arg6[%swap3A] {strides = array<i32>} : memref<16xi32, #tpu.memory_space<vmem>>, vector<16xi32>,
    tpu.vector_store %arg6[%swap3A], %min3A_18 {strides = array<i32>} : memref<16xi32, #tpu.memory_space<vmem>>, vector<16xi32>,
    %dma_start3A_20 = arith.constant 0 : i32
    %dma_start3A_21 = tpu.memref_slice %arg6[%dma_start3A_20] : memref<16xi32, #tpu.memory_space<vmem>> -> memref<2xi32, #tpu.memory_space<vmem>>
    %dma_start3A_22 = arith.constant 0 : i32
    %dma_start3A_23 = arith.constant 0 : i32
    %dma_start3A_24 = tpu.memref_slice %arg3[%dma_start3A_22, %dma_start3A_23] : memref<100000x128xf32, #tpu.memory_space<hbm>> -> memref<100000x128xf32, #tpu.memory_space<hbm>>
    tpu.enqueue_indirect_dma source(%dma_start3A_24 : memref<100000x128xf32, #tpu.memory_space<hbm>>) target(%arg7 : memref<2x128xf32, #tpu.memory_space<vmem>>) offsets(%dma_start3A_21 : memref<2xi32, #tpu.memory_space<vmem>>) semaphore(%arg9 : memref<!tpu.dma_semaphore, #tpu.memory_space<semaphore_mem>>)
    %dma_wait3A_25 = arith.constant 0 : i32
    %dma_wait3A_26 = tpu.memref_slice %arg6[%dma_wait3A_25] : memref<16xi32, #tpu.memory_space<vmem>> -> memref<2xi32, #tpu.memory_space<vmem>>
    %dma_wait3A_27 = arith.constant 0 : i32
    %dma_wait3A_28 = arith.constant 0 : i32
    %dma_wait3A_29 = tpu.memref_slice %arg3[%dma_wait3A_27, %dma_wait3A_28] : memref<100000x128xf32, #tpu.memory_space<hbm>> -> memref<100000x128xf32, #tpu.memory_space<hbm>>
    tpu.wait_indirect_dma semaphore(%arg9 : memref<!tpu.dma_semaphore, #tpu.memory_space<semaphore_mem>>) src(%dma_wait3A_29 : memref<100000x128xf32, #tpu.memory_space<hbm>>) dst(%arg7 : memref<2x128xf32, #tpu.memory_space<vmem>>)
    %broadcast_in_dim3A = arith.constant 0.000000e+00 : f32
    %broadcast_in_dim3A_30 = vector.broadcast %broadcast_in_dim3A : f32 to vector<16xf32>
    %broadcast_in_dim3A_31 = arith.constant 0.000000e+00 : f32
    %broadcast_in_dim3A_32 = vector.broadcast %broadcast_in_dim3A_31 : f32 to vector<16xf32>
    %get3A_33 = arith.constant 0 : i32
    %get3A_34 = arith.index_cast %get3A_33 : i32 to index
    %get3A_35 = arith.constant 0 : index
    %get3A_36 = tpu.vector_load %arg7[%get3A_34, %get3A_35] {strides = array<i32>} : memref<2x128xf32, #tpu.memory_space<vmem>>, vector<16xf32>,
    %get3A_37 = arith.constant 1 : i32
    %get3A_38 = arith.index_cast %get3A_37 : i32 to index
    %get3A_39 = arith.constant 0 : index
    %get3A_40 = tpu.vector_load %arg7[%get3A_38, %get3A_39] {strides = array<i32>} : memref<2x128xf32, #tpu.memory_space<vmem>>, vector<16xf32>,
    %mul3A_41 = arith.mulf %get3A_36, %get3A_36 : vector<16xf32>
    %add3A_42 = arith.addf %broadcast_in_dim3A_30, %mul3A_41 : vector<16xf32>
    %mul3A_43 = arith.mulf %get3A_40, %get3A_40 : vector<16xf32>
    %add3A_44 = arith.addf %broadcast_in_dim3A_32, %mul3A_43 : vector<16xf32>
    %get3A_45 = arith.constant 0 : i32
    %get3A_46 = arith.index_cast %get3A_45 : i32 to index
    %get3A_47 = arith.constant 16 : index
    %get3A_48 = tpu.vector_load %arg7[%get3A_46, %get3A_47] {strides = array<i32>} : memref<2x128xf32, #tpu.memory_space<vmem>>, vector<16xf32>,
    %get3A_49 = arith.constant 1 : i32
    %get3A_50 = arith.index_cast %get3A_49 : i32 to index
    %get3A_51 = arith.constant 16 : index
    %get3A_52 = tpu.vector_load %arg7[%get3A_50, %get3A_51] {strides = array<i32>} : memref<2x128xf32, #tpu.memory_space<vmem>>, vector<16xf32>,
    %mul3A_53 = arith.mulf %get3A_48, %get3A_48 : vector<16xf32>
    %add3A_54 = arith.addf %add3A_42, %mul3A_53 : vector<16xf32>
    %mul3A_55 = arith.mulf %get3A_52, %get3A_52 : vector<16xf32>
    %add3A_56 = arith.addf %add3A_44, %mul3A_55 : vector<16xf32>
    %get3A_57 = arith.constant 0 : i32
    %get3A_58 = arith.index_cast %get3A_57 : i32 to index
    %get3A_59 = arith.constant 32 : index
    %get3A_60 = tpu.vector_load %arg7[%get3A_58, %get3A_59] {strides = array<i32>} : memref<2x128xf32, #tpu.memory_space<vmem>>, vector<16xf32>,
    %get3A_61 = arith.constant 1 : i32
    %get3A_62 = arith.index_cast %get3A_61 : i32 to index
    %get3A_63 = arith.constant 32 : index
    %get3A_64 = tpu.vector_load %arg7[%get3A_62, %get3A_63] {strides = array<i32>} : memref<2x128xf32, #tpu.memory_space<vmem>>, vector<16xf32>,
    %mul3A_65 = arith.mulf %get3A_60, %get3A_60 : vector<16xf32>
    %add3A_66 = arith.addf %add3A_54, %mul3A_65 : vector<16xf32>
    %mul3A_67 = arith.mulf %get3A_64, %get3A_64 : vector<16xf32>
    %add3A_68 = arith.addf %add3A_56, %mul3A_67 : vector<16xf32>
    %get3A_69 = arith.constant 0 : i32
    %get3A_70 = arith.index_cast %get3A_69 : i32 to index
    %get3A_71 = arith.constant 48 : index
    %get3A_72 = tpu.vector_load %arg7[%get3A_70, %get3A_71] {strides = array<i32>} : memref<2x128xf32, #tpu.memory_space<vmem>>, vector<16xf32>,
    %get3A_73 = arith.constant 1 : i32
    %get3A_74 = arith.index_cast %get3A_73 : i32 to index
    %get3A_75 = arith.constant 48 : index
    %get3A_76 = tpu.vector_load %arg7[%get3A_74, %get3A_75] {strides = array<i32>} : memref<2x128xf32, #tpu.memory_space<vmem>>, vector<16xf32>,
    %mul3A_77 = arith.mulf %get3A_72, %get3A_72 : vector<16xf32>
    %add3A_78 = arith.addf %add3A_66, %mul3A_77 : vector<16xf32>
    %mul3A_79 = arith.mulf %get3A_76, %get3A_76 : vector<16xf32>
    %add3A_80 = arith.addf %add3A_68, %mul3A_79 : vector<16xf32>
    %get3A_81 = arith.constant 0 : i32
    %get3A_82 = arith.index_cast %get3A_81 : i32 to index
    %get3A_83 = arith.constant 64 : index
    %get3A_84 = tpu.vector_load %arg7[%get3A_82, %get3A_83] {strides = array<i32>} : memref<2x128xf32, #tpu.memory_space<vmem>>, vector<16xf32>,
    %get3A_85 = arith.constant 1 : i32
    %get3A_86 = arith.index_cast %get3A_85 : i32 to index
    %get3A_87 = arith.constant 64 : index
    %get3A_88 = tpu.vector_load %arg7[%get3A_86, %get3A_87] {strides = array<i32>} : memref<2x128xf32, #tpu.memory_space<vmem>>, vector<16xf32>,
    %mul3A_89 = arith.mulf %get3A_84, %get3A_84 : vector<16xf32>
    %add3A_90 = arith.addf %add3A_78, %mul3A_89 : vector<16xf32>
    %mul3A_91 = arith.mulf %get3A_88, %get3A_88 : vector<16xf32>
    %add3A_92 = arith.addf %add3A_80, %mul3A_91 : vector<16xf32>
    %get3A_93 = arith.constant 0 : i32
    %get3A_94 = arith.index_cast %get3A_93 : i32 to index
    %get3A_95 = arith.constant 80 : index
    %get3A_96 = tpu.vector_load %arg7[%get3A_94, %get3A_95] {strides = array<i32>} : memref<2x128xf32, #tpu.memory_space<vmem>>, vector<16xf32>,
    %get3A_97 = arith.constant 1 : i32
    %get3A_98 = arith.index_cast %get3A_97 : i32 to index
    %get3A_99 = arith.constant 80 : index
    %get3A_100 = tpu.vector_load %arg7[%get3A_98, %get3A_99] {strides = array<i32>} : memref<2x128xf32, #tpu.memory_space<vmem>>, vector<16xf32>,
    %mul3A_101 = arith.mulf %get3A_96, %get3A_96 : vector<16xf32>
    %add3A_102 = arith.addf %add3A_90, %mul3A_101 : vector<16xf32>
    %mul3A_103 = arith.mulf %get3A_100, %get3A_100 : vector<16xf32>
    %add3A_104 = arith.addf %add3A_92, %mul3A_103 : vector<16xf32>
    %get3A_105 = arith.constant 0 : i32
    %get3A_106 = arith.index_cast %get3A_105 : i32 to index
    %get3A_107 = arith.constant 96 : index
    %get3A_108 = tpu.vector_load %arg7[%get3A_106, %get3A_107] {strides = array<i32>} : memref<2x128xf32, #tpu.memory_space<vmem>>, vector<16xf32>,
    %get3A_109 = arith.constant 1 : i32
    %get3A_110 = arith.index_cast %get3A_109 : i32 to index
    %get3A_111 = arith.constant 96 : index
    %get3A_112 = tpu.vector_load %arg7[%get3A_110, %get3A_111] {strides = array<i32>} : memref<2x128xf32, #tpu.memory_space<vmem>>, vector<16xf32>,
    %mul3A_113 = arith.mulf %get3A_108, %get3A_108 : vector<16xf32>
    %add3A_114 = arith.addf %add3A_102, %mul3A_113 : vector<16xf32>
    %mul3A_115 = arith.mulf %get3A_112, %get3A_112 : vector<16xf32>
    %add3A_116 = arith.addf %add3A_104, %mul3A_115 : vector<16xf32>
    %get3A_117 = arith.constant 0 : i32
    %get3A_118 = arith.index_cast %get3A_117 : i32 to index
    %get3A_119 = arith.constant 112 : index
    %get3A_120 = tpu.vector_load %arg7[%get3A_118, %get3A_119] {strides = array<i32>} : memref<2x128xf32, #tpu.memory_space<vmem>>, vector<16xf32>,
    %get3A_121 = arith.constant 1 : i32
    %get3A_122 = arith.index_cast %get3A_121 : i32 to index
    %get3A_123 = arith.constant 112 : index
    %get3A_124 = tpu.vector_load %arg7[%get3A_122, %get3A_123] {strides = array<i32>} : memref<2x128xf32, #tpu.memory_space<vmem>>, vector<16xf32>,
    %mul3A_125 = arith.mulf %get3A_120, %get3A_120 : vector<16xf32>
    %add3A_126 = arith.addf %add3A_114, %mul3A_125 : vector<16xf32>
    %mul3A_127 = arith.mulf %get3A_124, %get3A_124 : vector<16xf32>
    %add3A_128 = arith.addf %add3A_116, %mul3A_127 : vector<16xf32>
    %iota3A_129 = tpu.iota {dimensions = array<i32: 0>} : vector<16xi32>
    %xor3A = arith.constant 8 : i32
    %xor3A_130 = vector.broadcast %xor3A : i32 to vector<16xi32>
    %xor3A_131 = arith.xori %iota3A_129, %xor3A_130 : vector<16xi32>
    %lt3A = arith.constant 0 : i32
    %lt3A_132 = vector.broadcast %lt3A : i32 to vector<16xi32>
    %lt3A_133 = arith.cmpi slt, %xor3A_131, %lt3A_132 : vector<16xi32>
    %add3A_134 = arith.constant 16 : i32
    %add3A_135 = vector.broadcast %add3A_134 : i32 to vector<16xi32>
    %add3A_136 = arith.addi %xor3A_131, %add3A_135 : vector<16xi32>
    %select_n3A = arith.select %lt3A_133, %add3A_136, %xor3A_131 : vector<16xi1>, vector<16xi32>
    %broadcast_in_dim3A_137 = vector.shape_cast %select_n3A : vector<16xi32> to vector<16x1xi32>
    %gather3A = vector.shape_cast %broadcast_in_dim3A_137 : vector<16x1xi32> to vector<16xi32>
    %gather3A_138 = tpu.dynamic_gather %add3A_126[%gather3A] in [0] : vector<16xf32>, vector<16xi32> -> vector<16xf32>
    %add3A_139 = arith.addf %add3A_126, %gather3A_138 : vector<16xf32>
    %xor3A_140 = arith.constant 4 : i32
    %xor3A_141 = vector.broadcast %xor3A_140 : i32 to vector<16xi32>
    %xor3A_142 = arith.xori %iota3A_129, %xor3A_141 : vector<16xi32>
    %lt3A_143 = arith.constant 0 : i32
    %lt3A_144 = vector.broadcast %lt3A_143 : i32 to vector<16xi32>
    %lt3A_145 = arith.cmpi slt, %xor3A_142, %lt3A_144 : vector<16xi32>
    %add3A_146 = arith.constant 16 : i32
    %add3A_147 = vector.broadcast %add3A_146 : i32 to vector<16xi32>
    %add3A_148 = arith.addi %xor3A_142, %add3A_147 : vector<16xi32>
    %select_n3A_149 = arith.select %lt3A_145, %add3A_148, %xor3A_142 : vector<16xi1>, vector<16xi32>
    %broadcast_in_dim3A_150 = vector.shape_cast %select_n3A_149 : vector<16xi32> to vector<16x1xi32>
    %gather3A_151 = vector.shape_cast %broadcast_in_dim3A_150 : vector<16x1xi32> to vector<16xi32>
    %gather3A_152 = tpu.dynamic_gather %add3A_139[%gather3A_151] in [0] : vector<16xf32>, vector<16xi32> -> vector<16xf32>
    %add3A_153 = arith.addf %add3A_139, %gather3A_152 : vector<16xf32>
    %xor3A_154 = arith.constant 2 : i32
    %xor3A_155 = vector.broadcast %xor3A_154 : i32 to vector<16xi32>
    %xor3A_156 = arith.xori %iota3A_129, %xor3A_155 : vector<16xi32>
    %lt3A_157 = arith.constant 0 : i32
    %lt3A_158 = vector.broadcast %lt3A_157 : i32 to vector<16xi32>
    %lt3A_159 = arith.cmpi slt, %xor3A_156, %lt3A_158 : vector<16xi32>
    %add3A_160 = arith.constant 16 : i32
    %add3A_161 = vector.broadcast %add3A_160 : i32 to vector<16xi32>
    %add3A_162 = arith.addi %xor3A_156, %add3A_161 : vector<16xi32>
    %select_n3A_163 = arith.select %lt3A_159, %add3A_162, %xor3A_156 : vector<16xi1>, vector<16xi32>
    %broadcast_in_dim3A_164 = vector.shape_cast %select_n3A_163 : vector<16xi32> to vector<16x1xi32>
    %gather3A_165 = vector.shape_cast %broadcast_in_dim3A_164 : vector<16x1xi32> to vector<16xi32>
    %gather3A_166 = tpu.dynamic_gather %add3A_153[%gather3A_165] in [0] : vector<16xf32>, vector<16xi32> -> vector<16xf32>
    %add3A_167 = arith.addf %add3A_153, %gather3A_166 : vector<16xf32>
    %xor3A_168 = arith.constant 1 : i32
    %xor3A_169 = vector.broadcast %xor3A_168 : i32 to vector<16xi32>
    %xor3A_170 = arith.xori %iota3A_129, %xor3A_169 : vector<16xi32>
    %lt3A_171 = arith.constant 0 : i32
    %lt3A_172 = vector.broadcast %lt3A_171 : i32 to vector<16xi32>
    %lt3A_173 = arith.cmpi slt, %xor3A_170, %lt3A_172 : vector<16xi32>
    %add3A_174 = arith.constant 16 : i32
    %add3A_175 = vector.broadcast %add3A_174 : i32 to vector<16xi32>
    %add3A_176 = arith.addi %xor3A_170, %add3A_175 : vector<16xi32>
    %select_n3A_177 = arith.select %lt3A_173, %add3A_176, %xor3A_170 : vector<16xi1>, vector<16xi32>
    %broadcast_in_dim3A_178 = vector.shape_cast %select_n3A_177 : vector<16xi32> to vector<16x1xi32>
    %gather3A_179 = vector.shape_cast %broadcast_in_dim3A_178 : vector<16x1xi32> to vector<16xi32>
    %gather3A_180 = tpu.dynamic_gather %add3A_167[%gather3A_179] in [0] : vector<16xf32>, vector<16xi32> -> vector<16xf32>
    %add3A_181 = arith.addf %add3A_167, %gather3A_180 : vector<16xf32>
    %bitcast3A = vector.bitcast %add3A_181 : vector<16xf32> to vector<16xi32>
    %shift_right_arithmetic3A = arith.constant 1 : i32
    %shift_right_arithmetic3A_182 = vector.broadcast %shift_right_arithmetic3A : i32 to vector<16xi32>
    %shift_right_arithmetic3A_183 = arith.shrsi %bitcast3A, %shift_right_arithmetic3A_182 : vector<16xi32>
    %sub3A_184 = arith.constant 1597463007 : i32
    %sub3A_185 = vector.broadcast %sub3A_184 : i32 to vector<16xi32>
    %sub3A_186 = arith.subi %sub3A_185, %shift_right_arithmetic3A_183 : vector<16xi32>
    %bitcast3A_187 = vector.bitcast %sub3A_186 : vector<16xi32> to vector<16xf32>
    %mul3A_188 = arith.constant 5.000000e-01 : f32
    %mul3A_189 = vector.broadcast %mul3A_188 : f32 to vector<16xf32>
    %mul3A_190 = arith.mulf %mul3A_189, %add3A_181 : vector<16xf32>
    %mul3A_191 = arith.mulf %mul3A_190, %bitcast3A_187 : vector<16xf32>
    %mul3A_192 = arith.mulf %mul3A_191, %bitcast3A_187 : vector<16xf32>
    %sub3A_193 = arith.constant 1.500000e+00 : f32
    %sub3A_194 = vector.broadcast %sub3A_193 : f32 to vector<16xf32>
    %sub3A_195 = arith.subf %sub3A_194, %mul3A_192 : vector<16xf32>
    %mul3A_196 = arith.mulf %bitcast3A_187, %sub3A_195 : vector<16xf32>
    %mul3A_197 = arith.constant 5.000000e-01 : f32
    %mul3A_198 = vector.broadcast %mul3A_197 : f32 to vector<16xf32>
    %mul3A_199 = arith.mulf %mul3A_198, %add3A_181 : vector<16xf32>
    %mul3A_200 = arith.mulf %mul3A_199, %mul3A_196 : vector<16xf32>
    %mul3A_201 = arith.mulf %mul3A_200, %mul3A_196 : vector<16xf32>
    %sub3A_202 = arith.constant 1.500000e+00 : f32
    %sub3A_203 = vector.broadcast %sub3A_202 : f32 to vector<16xf32>
    %sub3A_204 = arith.subf %sub3A_203, %mul3A_201 : vector<16xf32>
    %mul3A_205 = arith.mulf %mul3A_196, %sub3A_204 : vector<16xf32>
    %mul3A_206 = arith.constant 5.000000e-01 : f32
    %mul3A_207 = vector.broadcast %mul3A_206 : f32 to vector<16xf32>
    %mul3A_208 = arith.mulf %mul3A_207, %add3A_181 : vector<16xf32>
    %mul3A_209 = arith.mulf %mul3A_208, %mul3A_205 : vector<16xf32>
    %mul3A_210 = arith.mulf %mul3A_209, %mul3A_205 : vector<16xf32>
    %sub3A_211 = arith.constant 1.500000e+00 : f32
    %sub3A_212 = vector.broadcast %sub3A_211 : f32 to vector<16xf32>
    %sub3A_213 = arith.subf %sub3A_212, %mul3A_210 : vector<16xf32>
    %mul3A_214 = arith.mulf %mul3A_205, %sub3A_213 : vector<16xf32>
    %min3A_215 = arith.constant 1.000000e+00 : f32
    %min3A_216 = vector.broadcast %min3A_215 : f32 to vector<16xf32>
    %min3A_217 = arith.minimumf %min3A_216, %mul3A_214 : vector<16xf32>
    %iota3A_218 = tpu.iota {dimensions = array<i32: 0>} : vector<16xi32>
    %xor3A_219 = arith.constant 8 : i32
    %xor3A_220 = vector.broadcast %xor3A_219 : i32 to vector<16xi32>
    %xor3A_221 = arith.xori %iota3A_218, %xor3A_220 : vector<16xi32>
    %lt3A_222 = arith.constant 0 : i32
    %lt3A_223 = vector.broadcast %lt3A_222 : i32 to vector<16xi32>
    %lt3A_224 = arith.cmpi slt, %xor3A_221, %lt3A_223 : vector<16xi32>
    %add3A_225 = arith.constant 16 : i32
    %add3A_226 = vector.broadcast %add3A_225 : i32 to vector<16xi32>
    %add3A_227 = arith.addi %xor3A_221, %add3A_226 : vector<16xi32>
    %select_n3A_228 = arith.select %lt3A_224, %add3A_227, %xor3A_221 : vector<16xi1>, vector<16xi32>
    %broadcast_in_dim3A_229 = vector.shape_cast %select_n3A_228 : vector<16xi32> to vector<16x1xi32>
    %gather3A_230 = vector.shape_cast %broadcast_in_dim3A_229 : vector<16x1xi32> to vector<16xi32>
    %gather3A_231 = tpu.dynamic_gather %add3A_128[%gather3A_230] in [0] : vector<16xf32>, vector<16xi32> -> vector<16xf32>
    %add3A_232 = arith.addf %add3A_128, %gather3A_231 : vector<16xf32>
    %xor3A_233 = arith.constant 4 : i32
    %xor3A_234 = vector.broadcast %xor3A_233 : i32 to vector<16xi32>
    %xor3A_235 = arith.xori %iota3A_218, %xor3A_234 : vector<16xi32>
    %lt3A_236 = arith.constant 0 : i32
    %lt3A_237 = vector.broadcast %lt3A_236 : i32 to vector<16xi32>
    %lt3A_238 = arith.cmpi slt, %xor3A_235, %lt3A_237 : vector<16xi32>
    %add3A_239 = arith.constant 16 : i32
    %add3A_240 = vector.broadcast %add3A_239 : i32 to vector<16xi32>
    %add3A_241 = arith.addi %xor3A_235, %add3A_240 : vector<16xi32>
    %select_n3A_242 = arith.select %lt3A_238, %add3A_241, %xor3A_235 : vector<16xi1>, vector<16xi32>
    %broadcast_in_dim3A_243 = vector.shape_cast %select_n3A_242 : vector<16xi32> to vector<16x1xi32>
    %gather3A_244 = vector.shape_cast %broadcast_in_dim3A_243 : vector<16x1xi32> to vector<16xi32>
    %gather3A_245 = tpu.dynamic_gather %add3A_232[%gather3A_244] in [0] : vector<16xf32>, vector<16xi32> -> vector<16xf32>
    %add3A_246 = arith.addf %add3A_232, %gather3A_245 : vector<16xf32>
    %xor3A_247 = arith.constant 2 : i32
    %xor3A_248 = vector.broadcast %xor3A_247 : i32 to vector<16xi32>
    %xor3A_249 = arith.xori %iota3A_218, %xor3A_248 : vector<16xi32>
    %lt3A_250 = arith.constant 0 : i32
    %lt3A_251 = vector.broadcast %lt3A_250 : i32 to vector<16xi32>
    %lt3A_252 = arith.cmpi slt, %xor3A_249, %lt3A_251 : vector<16xi32>
    %add3A_253 = arith.constant 16 : i32
    %add3A_254 = vector.broadcast %add3A_253 : i32 to vector<16xi32>
    %add3A_255 = arith.addi %xor3A_249, %add3A_254 : vector<16xi32>
    %select_n3A_256 = arith.select %lt3A_252, %add3A_255, %xor3A_249 : vector<16xi1>, vector<16xi32>
    %broadcast_in_dim3A_257 = vector.shape_cast %select_n3A_256 : vector<16xi32> to vector<16x1xi32>
    %gather3A_258 = vector.shape_cast %broadcast_in_dim3A_257 : vector<16x1xi32> to vector<16xi32>
    %gather3A_259 = tpu.dynamic_gather %add3A_246[%gather3A_258] in [0] : vector<16xf32>, vector<16xi32> -> vector<16xf32>
    %add3A_260 = arith.addf %add3A_246, %gather3A_259 : vector<16xf32>
    %xor3A_261 = arith.constant 1 : i32
    %xor3A_262 = vector.broadcast %xor3A_261 : i32 to vector<16xi32>
    %xor3A_263 = arith.xori %iota3A_218, %xor3A_262 : vector<16xi32>
    %lt3A_264 = arith.constant 0 : i32
    %lt3A_265 = vector.broadcast %lt3A_264 : i32 to vector<16xi32>
    %lt3A_266 = arith.cmpi slt, %xor3A_263, %lt3A_265 : vector<16xi32>
    %add3A_267 = arith.constant 16 : i32
    %add3A_268 = vector.broadcast %add3A_267 : i32 to vector<16xi32>
    %add3A_269 = arith.addi %xor3A_263, %add3A_268 : vector<16xi32>
    %select_n3A_270 = arith.select %lt3A_266, %add3A_269, %xor3A_263 : vector<16xi1>, vector<16xi32>
    %broadcast_in_dim3A_271 = vector.shape_cast %select_n3A_270 : vector<16xi32> to vector<16x1xi32>
    %gather3A_272 = vector.shape_cast %broadcast_in_dim3A_271 : vector<16x1xi32> to vector<16xi32>
    %gather3A_273 = tpu.dynamic_gather %add3A_260[%gather3A_272] in [0] : vector<16xf32>, vector<16xi32> -> vector<16xf32>
    %add3A_274 = arith.addf %add3A_260, %gather3A_273 : vector<16xf32>
    %bitcast3A_275 = vector.bitcast %add3A_274 : vector<16xf32> to vector<16xi32>
    %shift_right_arithmetic3A_276 = arith.constant 1 : i32
    %shift_right_arithmetic3A_277 = vector.broadcast %shift_right_arithmetic3A_276 : i32 to vector<16xi32>
    %shift_right_arithmetic3A_278 = arith.shrsi %bitcast3A_275, %shift_right_arithmetic3A_277 : vector<16xi32>
    %sub3A_279 = arith.constant 1597463007 : i32
    %sub3A_280 = vector.broadcast %sub3A_279 : i32 to vector<16xi32>
    %sub3A_281 = arith.subi %sub3A_280, %shift_right_arithmetic3A_278 : vector<16xi32>
    %bitcast3A_282 = vector.bitcast %sub3A_281 : vector<16xi32> to vector<16xf32>
    %mul3A_283 = arith.constant 5.000000e-01 : f32
    %mul3A_284 = vector.broadcast %mul3A_283 : f32 to vector<16xf32>
    %mul3A_285 = arith.mulf %mul3A_284, %add3A_274 : vector<16xf32>
    %mul3A_286 = arith.mulf %mul3A_285, %bitcast3A_282 : vector<16xf32>
    %mul3A_287 = arith.mulf %mul3A_286, %bitcast3A_282 : vector<16xf32>
    %sub3A_288 = arith.constant 1.500000e+00 : f32
    %sub3A_289 = vector.broadcast %sub3A_288 : f32 to vector<16xf32>
    %sub3A_290 = arith.subf %sub3A_289, %mul3A_287 : vector<16xf32>
    %mul3A_291 = arith.mulf %bitcast3A_282, %sub3A_290 : vector<16xf32>
    %mul3A_292 = arith.constant 5.000000e-01 : f32
    %mul3A_293 = vector.broadcast %mul3A_292 : f32 to vector<16xf32>
    %mul3A_294 = arith.mulf %mul3A_293, %add3A_274 : vector<16xf32>
    %mul3A_295 = arith.mulf %mul3A_294, %mul3A_291 : vector<16xf32>
    %mul3A_296 = arith.mulf %mul3A_295, %mul3A_291 : vector<16xf32>
    %sub3A_297 = arith.constant 1.500000e+00 : f32
    %sub3A_298 = vector.broadcast %sub3A_297 : f32 to vector<16xf32>
    %sub3A_299 = arith.subf %sub3A_298, %mul3A_296 : vector<16xf32>
    %mul3A_300 = arith.mulf %mul3A_291, %sub3A_299 : vector<16xf32>
    %mul3A_301 = arith.constant 5.000000e-01 : f32
    %mul3A_302 = vector.broadcast %mul3A_301 : f32 to vector<16xf32>
    %mul3A_303 = arith.mulf %mul3A_302, %add3A_274 : vector<16xf32>
    %mul3A_304 = arith.mulf %mul3A_303, %mul3A_300 : vector<16xf32>
    %mul3A_305 = arith.mulf %mul3A_304, %mul3A_300 : vector<16xf32>
    %sub3A_306 = arith.constant 1.500000e+00 : f32
    %sub3A_307 = vector.broadcast %sub3A_306 : f32 to vector<16xf32>
    %sub3A_308 = arith.subf %sub3A_307, %mul3A_305 : vector<16xf32>
    %mul3A_309 = arith.mulf %mul3A_300, %sub3A_308 : vector<16xf32>
    %min3A_310 = arith.constant 1.000000e+00 : f32
    %min3A_311 = vector.broadcast %min3A_310 : f32 to vector<16xf32>
    %min3A_312 = arith.minimumf %min3A_311, %mul3A_309 : vector<16xf32>
    %mul3A_313 = arith.mulf %get3A_36, %min3A_217 : vector<16xf32>
    %mul3A_314 = arith.mulf %get3A_40, %min3A_312 : vector<16xf32>
    %sub3A_315 = arith.subf %mul3A_314, %mul3A_313 : vector<16xf32>
    %mul3A_316 = arith.mulf %sub3A, %sub3A_315 : vector<16xf32>
    %add3A_317 = arith.addf %mul3A_313, %mul3A_316 : vector<16xf32>
    %swap3A_318 = arith.constant 0 : i32
    %swap3A_319 = arith.index_cast %swap3A_318 : i32 to index
    %swap3A_320 = arith.constant 0 : index
    %swap3A_321 = tpu.vector_load %arg8[%swap3A_319, %swap3A_320] {strides = array<i32>} : memref<1x128xf32, #tpu.memory_space<vmem>>, vector<16xf32>,
    tpu.vector_store %arg8[%swap3A_319, %swap3A_320], %add3A_317 {strides = array<i32>} : memref<1x128xf32, #tpu.memory_space<vmem>>, vector<16xf32>,
    %mul3A_322 = arith.mulf %get3A_48, %min3A_217 : vector<16xf32>
    %mul3A_323 = arith.mulf %get3A_52, %min3A_312 : vector<16xf32>
    %sub3A_324 = arith.subf %mul3A_323, %mul3A_322 : vector<16xf32>
    %mul3A_325 = arith.mulf %sub3A, %sub3A_324 : vector<16xf32>
    %add3A_326 = arith.addf %mul3A_322, %mul3A_325 : vector<16xf32>
    %swap3A_327 = arith.constant 0 : i32
    %swap3A_328 = arith.index_cast %swap3A_327 : i32 to index
    %swap3A_329 = arith.constant 16 : index
    %swap3A_330 = tpu.vector_load %arg8[%swap3A_328, %swap3A_329] {strides = array<i32>} : memref<1x128xf32, #tpu.memory_space<vmem>>, vector<16xf32>,
    tpu.vector_store %arg8[%swap3A_328, %swap3A_329], %add3A_326 {strides = array<i32>} : memref<1x128xf32, #tpu.memory_space<vmem>>, vector<16xf32>,
    %mul3A_331 = arith.mulf %get3A_60, %min3A_217 : vector<16xf32>
    %mul3A_332 = arith.mulf %get3A_64, %min3A_312 : vector<16xf32>
    %sub3A_333 = arith.subf %mul3A_332, %mul3A_331 : vector<16xf32>
    %mul3A_334 = arith.mulf %sub3A, %sub3A_333 : vector<16xf32>
    %add3A_335 = arith.addf %mul3A_331, %mul3A_334 : vector<16xf32>
    %swap3A_336 = arith.constant 0 : i32
    %swap3A_337 = arith.index_cast %swap3A_336 : i32 to index
    %swap3A_338 = arith.constant 32 : index
    %swap3A_339 = tpu.vector_load %arg8[%swap3A_337, %swap3A_338] {strides = array<i32>} : memref<1x128xf32, #tpu.memory_space<vmem>>, vector<16xf32>,
    tpu.vector_store %arg8[%swap3A_337, %swap3A_338], %add3A_335 {strides = array<i32>} : memref<1x128xf32, #tpu.memory_space<vmem>>, vector<16xf32>,
    %mul3A_340 = arith.mulf %get3A_72, %min3A_217 : vector<16xf32>
    %mul3A_341 = arith.mulf %get3A_76, %min3A_312 : vector<16xf32>
    %sub3A_342 = arith.subf %mul3A_341, %mul3A_340 : vector<16xf32>
    %mul3A_343 = arith.mulf %sub3A, %sub3A_342 : vector<16xf32>
    %add3A_344 = arith.addf %mul3A_340, %mul3A_343 : vector<16xf32>
    %swap3A_345 = arith.constant 0 : i32
    %swap3A_346 = arith.index_cast %swap3A_345 : i32 to index
    %swap3A_347 = arith.constant 48 : index
    %swap3A_348 = tpu.vector_load %arg8[%swap3A_346, %swap3A_347] {strides = array<i32>} : memref<1x128xf32, #tpu.memory_space<vmem>>, vector<16xf32>,
    tpu.vector_store %arg8[%swap3A_346, %swap3A_347], %add3A_344 {strides = array<i32>} : memref<1x128xf32, #tpu.memory_space<vmem>>, vector<16xf32>,
    %mul3A_349 = arith.mulf %get3A_84, %min3A_217 : vector<16xf32>
    %mul3A_350 = arith.mulf %get3A_88, %min3A_312 : vector<16xf32>
    %sub3A_351 = arith.subf %mul3A_350, %mul3A_349 : vector<16xf32>
    %mul3A_352 = arith.mulf %sub3A, %sub3A_351 : vector<16xf32>
    %add3A_353 = arith.addf %mul3A_349, %mul3A_352 : vector<16xf32>
    %swap3A_354 = arith.constant 0 : i32
    %swap3A_355 = arith.index_cast %swap3A_354 : i32 to index
    %swap3A_356 = arith.constant 64 : index
    %swap3A_357 = tpu.vector_load %arg8[%swap3A_355, %swap3A_356] {strides = array<i32>} : memref<1x128xf32, #tpu.memory_space<vmem>>, vector<16xf32>,
    tpu.vector_store %arg8[%swap3A_355, %swap3A_356], %add3A_353 {strides = array<i32>} : memref<1x128xf32, #tpu.memory_space<vmem>>, vector<16xf32>,
    %mul3A_358 = arith.mulf %get3A_96, %min3A_217 : vector<16xf32>
    %mul3A_359 = arith.mulf %get3A_100, %min3A_312 : vector<16xf32>
    %sub3A_360 = arith.subf %mul3A_359, %mul3A_358 : vector<16xf32>
    %mul3A_361 = arith.mulf %sub3A, %sub3A_360 : vector<16xf32>
    %add3A_362 = arith.addf %mul3A_358, %mul3A_361 : vector<16xf32>
    %swap3A_363 = arith.constant 0 : i32
    %swap3A_364 = arith.index_cast %swap3A_363 : i32 to index
    %swap3A_365 = arith.constant 80 : index
    %swap3A_366 = tpu.vector_load %arg8[%swap3A_364, %swap3A_365] {strides = array<i32>} : memref<1x128xf32, #tpu.memory_space<vmem>>, vector<16xf32>,
    tpu.vector_store %arg8[%swap3A_364, %swap3A_365], %add3A_362 {strides = array<i32>} : memref<1x128xf32, #tpu.memory_space<vmem>>, vector<16xf32>,
    %mul3A_367 = arith.mulf %get3A_108, %min3A_217 : vector<16xf32>
    %mul3A_368 = arith.mulf %get3A_112, %min3A_312 : vector<16xf32>
    %sub3A_369 = arith.subf %mul3A_368, %mul3A_367 : vector<16xf32>
    %mul3A_370 = arith.mulf %sub3A, %sub3A_369 : vector<16xf32>
    %add3A_371 = arith.addf %mul3A_367, %mul3A_370 : vector<16xf32>
    %swap3A_372 = arith.constant 0 : i32
    %swap3A_373 = arith.index_cast %swap3A_372 : i32 to index
    %swap3A_374 = arith.constant 96 : index
    %swap3A_375 = tpu.vector_load %arg8[%swap3A_373, %swap3A_374] {strides = array<i32>} : memref<1x128xf32, #tpu.memory_space<vmem>>, vector<16xf32>,
    tpu.vector_store %arg8[%swap3A_373, %swap3A_374], %add3A_371 {strides = array<i32>} : memref<1x128xf32, #tpu.memory_space<vmem>>, vector<16xf32>,
    %mul3A_376 = arith.mulf %get3A_120, %min3A_217 : vector<16xf32>
    %mul3A_377 = arith.mulf %get3A_124, %min3A_312 : vector<16xf32>
    %sub3A_378 = arith.subf %mul3A_377, %mul3A_376 : vector<16xf32>
    %mul3A_379 = arith.mulf %sub3A, %sub3A_378 : vector<16xf32>
    %add3A_380 = arith.addf %mul3A_376, %mul3A_379 : vector<16xf32>
    %swap3A_381 = arith.constant 0 : i32
    %swap3A_382 = arith.index_cast %swap3A_381 : i32 to index
    %swap3A_383 = arith.constant 112 : index
    %swap3A_384 = tpu.vector_load %arg8[%swap3A_382, %swap3A_383] {strides = array<i32>} : memref<1x128xf32, #tpu.memory_space<vmem>>, vector<16xf32>,
    tpu.vector_store %arg8[%swap3A_382, %swap3A_383], %add3A_380 {strides = array<i32>} : memref<1x128xf32, #tpu.memory_space<vmem>>, vector<16xf32>,
    "tpu.region"() ({
      %run_scoped3A = tpu.sem_alloc : memref<!tpu.dma_semaphore, #tpu.memory_space<semaphore_mem>>
      tpu.enqueue_dma source(%arg8 : memref<1x128xf32, #tpu.memory_space<vmem>>) target(%arg4 : memref<1x128xf32, #tpu.memory_space<hbm>>) target_semaphore(%run_scoped3A : memref<!tpu.dma_semaphore, #tpu.memory_space<semaphore_mem>>)
      tpu.wait_dma2 semaphore(%run_scoped3A : memref<!tpu.dma_semaphore, #tpu.memory_space<semaphore_mem>>) src(%arg8 : memref<1x128xf32, #tpu.memory_space<vmem>>) dst(%arg4 : memref<1x128xf32, #tpu.memory_space<hbm>>)
      tpu.yield
    }) : () -> ()
    return
  }
}

</mosaic_0001>

<sc_bundles>
// kernel: kernel.3.cloned.1.call-start
scs
__scs_entry_jumppad:
0x0: {  	(pc) =	sbr.rel $0x88, $3  }
0x1: {  	(tag) =	ssettag $0x0;
	lr =	simm.s32 $0x1  }
0x2: {  	[smem:$0x3F9F] =	sst lr;
	_ =	strace $0xD0000000  }
0x3: {  	_ = 	snop  }
0x4: {  	_ = 	snop  }
0x5: {  	_ = 	snop  }
0x6: {  	_ = 	snop  }
0x7: {  	_ = 	snop  }
__scs_overlays_trampoline_lowered:
0x8: {  	[smem:$0x3FAE] =	sst s0  }
0x9: {  	[smem:$0x3FAF] =	sst s1  }
0xa: {  	[smem:$0x3FB0] =	sst s2  }
0xb: {  	[smem:$0x3FB1] =	sst s3  }
0xc: {  	[smem:$0x3FB2] =	sst s4  }
0xd: {  	[smem:$0x3FB3] =	sst s5  }
0xe: {  	[smem:$0x3FB4] =	sst s6  }
0xf: {  	[smem:$0x3FB5] =	sst s7  }
0x10: {  	[smem:$0x3FB6] =	sst s8  }
0x11: {  	[smem:$0x3FB7] =	sst s9;
	s0 =	simm.s32 @!p0 $0x0  }
0x12: {  	s1 =	sld [smem:$0x3F9D];
	s0 =	simm.s32 @p0 $0x1  }
0x13: {  	[smem:$0x3FB8] =	sst s0;
	s0 =	simm.s32 @!p1 $0x0  }
0x14: {  	s2 =	sld [smem:$0x3F9C];
	s0 =	simm.s32 @p1 $0x1  }
0x15: {  	[smem:$0x3FB9] =	sst s0;
	s0 =	simm.s32 @!p2 $0x0  }
0x16: {  	s3 =	sld [smem:$0x3FDB];
	s0 =	simm.s32 @p2 $0x1  }
0x17: {  	s4 =	simm.s32 $0x1BF5;
	[smem:$0x3FBB] =	sst s0  }
0x18: {  	s0 =	sld [smem:$0x3F9E];
	_ =	swait.ge [sflag:s4], $0x0  }
0x19: {  	s7 =	sld [smem:$0x3F9F]  }
0x1a: {  	s8 =	sadd.s32 $0xFFFFE003, lr  }
0x1b: {  	s9 =	sadd.s32 $0xFFFFFEF7, lr;
	s5 =	simm.s32 $0xFFFFFFFF;
	p2 =	slt.u32 s8, $0xFFFFF086  }
0x1c: {  	p1 =	slt.u32 s9, $0xF7A;
	s5 =	simm.s32 @!p2 $0x0  }
0x1d: {  	s5 =	simm.s32 @p1 $0x1;
	p0 =	seq.s32 s7, s2  }
0x1e: {  	s7 =	smul.u32 @!p0 $0xF7A, s2;
	p2 =	seq.s32 @!p0 s5, $0x0  }
0x1f: {  	s9 =	smul.u32 $0xF7A, s1;
	s8 =	simm.s32 @!p0 $0x1BF5;
	p2 =	por !p2, p0  }
0x20: {  	[sflag:s8] =	ssyncset.s32 @!p0 $0xFFFFF086;
	s6 =	sadd.s32 @!p0 s3, s7;
	s7 =	simm.s32 @!p0 $0x108  }
0x21: {  	s3 =	sadd.s32 s3, s9;
	s6 =	sadd.s32 @!p0 $0x88, s6;
	s7 =	simm.s32 @p2 $0x1082  }
0x22: {  	[simem:s7], [sflag:s8] =	dma.local @!p0 [hbm:s6], $0xF7A  }
0x23: {  	s9 =	sor.u32 $0xD0000000, s2;
	s6 =	simm.s32 $0x108;
	_ =	swait.ge @!p0 [sflag:s8], $0x0  }
0x24: {  	s3 =	sadd.s32 $0x88, s3;
	s6 =	simm.s32 @!p1 $0x1082;
	[sflag:s4] =	ssyncset.s32 $0xFFFFF086  }
0x25: {  	[simem:s6], [sflag:s4] =	dma.local [hbm:s3], $0xF7A  }
0x26: {  	[smem:$0x3F9F] =	sst s1;
	(tag) =	ssettag s2;
	_ =	strace s9  }
0x27: {  	s1 =	sld [smem:$0x3FAF]  }
0x28: {  	s2 =	sld [smem:$0x3FB0]  }
0x29: {  	s4 =	sld [smem:$0x3FB2]  }
0x2a: {  	p0 =	seq.s32 s5, $0x0;
	s5 =	sld [smem:$0x3FB3]  }
0x2b: {  	s6 =	sld [smem:$0x3FB4]  }
0x2c: {  	s7 =	sld [smem:$0x3FB5]  }
0x2d: {  	s3 =	simm.s32 $0x108;
	s8 =	sld [smem:$0x3FB6]  }
0x2e: {  	s3 =	simm.s32 @!p0 $0x1082;
	s9 =	sld [smem:$0x3FB7]  }
0x2f: {  	lr =	sadd.s32 s0, s3;
	s0 =	sld [smem:$0x3FAE]  }
0x30: {  	s3 =	sld [smem:$0x3FB1]  }
0x31: {  	[smem:$0x3FBA] =	sst s10  }
0x32: {  	s10 =	sld [smem:$0x3FB8];
	_ =	sdelay $0x3  }
0x33: {  	p0 =	seq.s32 s10, $0x1;
	s10 =	sld [smem:$0x3FBA];
	_ =	sdelay $0x3  }
0x34: {  	[smem:$0x3FBA] =	sst s10  }
0x35: {  	s10 =	sld [smem:$0x3FB9];
	_ =	sdelay $0x3  }
0x36: {  	p1 =	seq.s32 s10, $0x1;
	s10 =	sld [smem:$0x3FBA];
	_ =	sdelay $0x3  }
0x37: {  	[smem:$0x3FBA] =	sst s10  }
0x38: {  	s10 =	sld [smem:$0x3FBB]  }
0x39: {  	_ = 	snop;
	(pc) =	sbr.ind lr, $3  }
0x3a: {  	_ = 	snop  }
0x3b: {  	_ = 	snop  }
0x3c: {  	p2 =	seq.s32 s10, $0x1;
	s10 =	sld [smem:$0x3FBA]  }
0x3d: {  	_ =	shalt  }
0x3e: {  	_ =	shalt  }
0x3f: {  	_ =	shalt  }
0x40: {  	_ =	shalt  }
0x41: {  	_ =	shalt  }
0x42: {  	_ =	shalt  }
0x43: {  	_ =	shalt  }
0x44: {  	_ =	shalt  }
0x45: {  	_ =	shalt  }
0x46: {  	_ =	shalt  }
0x47: {  	_ =	shalt  }
0x48: {  	_ =	shalt  }
0x49: {  	_ =	shalt  }
0x4a: {  	_ =	shalt  }
0x4b: {  	_ =	shalt  }
0x4c: {  	_ =	shalt  }
0x4d: {  	_ =	shalt  }
0x4e: {  	_ =	shalt  }
0x4f: {  	_ =	shalt  }
0x50: {  	_ =	shalt  }
0x51: {  	_ =	shalt  }
0x52: {  	_ =	shalt  }
0x53: {  	_ =	shalt  }
0x54: {  	_ =	shalt  }
0x55: {  	_ =	shalt  }
0x56: {  	_ =	shalt  }
0x57: {  	_ =	shalt  }
0x58: {  	_ =	shalt  }
0x59: {  	_ =	shalt  }
0x5a: {  	_ =	shalt  }
0x5b: {  	_ =	shalt  }
0x5c: {  	_ =	shalt  }
0x5d: {  	_ =	shalt  }
0x5e: {  	_ =	shalt  }
0x5f: {  	_ =	shalt  }
0x60: {  	_ =	shalt  }
0x61: {  	_ =	shalt  }
0x62: {  	_ =	shalt  }
0x63: {  	_ =	shalt  }
0x64: {  	_ =	shalt  }
0x65: {  	_ =	shalt  }
0x66: {  	_ =	shalt  }
0x67: {  	_ =	shalt  }
0x68: {  	_ =	shalt  }
0x69: {  	_ =	shalt  }
0x6a: {  	_ =	shalt  }
0x6b: {  	_ =	shalt  }
0x6c: {  	_ =	shalt  }
0x6d: {  	_ =	shalt  }
0x6e: {  	_ =	shalt  }
0x6f: {  	_ =	shalt  }
0x70: {  	_ =	shalt  }
0x71: {  	_ =	shalt  }
0x72: {  	_ =	shalt  }
0x73: {  	_ =	shalt  }
0x74: {  	_ =	shalt  }
0x75: {  	_ =	shalt  }
0x76: {  	_ =	shalt  }
0x77: {  	_ =	shalt  }
0x78: {  	_ =	shalt  }
0x79: {  	_ =	shalt  }
0x7a: {  	_ =	shalt  }
0x7b: {  	_ =	shalt  }
0x7c: {  	_ =	shalt  }
0x7d: {  	_ =	shalt  }
0x7e: {  	_ =	shalt  }
0x7f: {  	_ =	shalt  }
0x80: {  	_ =	shalt  }
0x81: {  	_ =	shalt  }
0x82: {  	_ =	shalt  }
0x83: {  	_ =	shalt  }
0x84: {  	_ =	shalt  }
0x85: {  	_ =	shalt  }
0x86: {  	_ =	shalt  }
0x87: {  	_ =	shalt  }
.Lfunc_end0:
.L_simem_size_0:
called_computation_lowered:
.L_overlay_start_0:
0x88: {  	s0 =	sld [smem:$0x3FD9]  }
0x89: {  	s1 =	sld [smem:$0x3FFE];
	_ =	sdelay $0x3  }
0x8a: {  	s0 =	sadd.s32 s1, s0  }
0x8b: {  	[smem:$0x3FC6] =	sst s0  }
0x8c: {  	_ = 	snop  }
0x8d: {  	s0 =	sld [smem:$0x3FC9]  }
0x8e: {  	s17 =	sld [smem:$0x3FC8]  }
0x8f: {  	s2 =	sld [smem:$0x3FD0];
	(tm) =	ssettm $0x1  }
0x90: {  	s3 =	sld [smem:$0x3FFB];
	_ =	sdelay $0x3  }
0x91: {  	_ =	strace s3  }
0x92: {  	s3 =	sld [smem:$0x3FFC];
	_ =	sdelay $0x3  }
0x93: {  	_ =	strace s3  }
0x94: {  	s3 =	sld [smem:$0x3FFD];
	_ =	sdelay $0x3  }
0x95: {  	_ =	strace s3  }
0x96: {  	_ =	strace $0x8FFFFFFF  }
0x97: {  	s18 =	sld [smem:$0x3FDB];
	_ =	sdelay $0x1  }
0x98: {  	s4 =	simm.s32 $_scs_section_size  }
0x99: {  	s5 =	simm.s32 $_size__tile_overlayer_lowered;
	s6 =	simm.s32 $_tile_overlayer_lowered  }
0x9a: {  	s21 =	simm.s32 $0x1BFF;
	s20 =	sshll.u32 s6, $0x1;
	s3 =	sadd.s32 s4, s18  }
0x9b: {  	s7 =	simm.s32 $0x0;
	s19 =	sshll.u32 s5, $0x1;
	s5 =	sadd.s32 s20, s3  }
0x9c: {  	[timem:s7], [sflag:s21] =	dma.local [hbm:s5], s19  }
0x9d: {  	_ =	swait.ge [sflag:s21], s19  }
0x9e: {  	s4 =	ssub.s32 $0x0, s19;
	[sflag:s21] =	ssyncset.done $0x0  }
0x9f: {  	[sflag:s21] =	ssyncadd.s32 s4;
	_ =	sdelay $0x1  }
0xa0: {  	s22 =	simm.s32 $0x1B8B  }
0xa1: {  	_ =	swait.ge [sflag:s22], $0x1  }
0xa2: {  	[sflag:s22] =	ssyncset.done $0x0  }
0xa3: {  	s23 =	simm.s32 $0x1B8E;
	[sflag:s22] =	ssyncadd.s32 $0xFFFFFFFF  }
0xa4: {  	s24 =	simm.s32 $execute0_lowered;
	[smem:$0x3FD2] =	sst s23  }
0xa5: {  	s4 =	sshll.u32 s24, $0x1;
	_ =	strace $0x80000046;
	[dreg:$0x1] =	wrdreg $0xFFFFFFFF  }
0xa6: {  	s25 =	simm.s32 $_size_execute0_lowered;
	s3 =	sadd.s32 s3, s4;
	[dreg:$0x0] =	wrdreg $0x0  }
0xa7: {  	s4 =	sshll.u32 s25, $0x1;
	[dreg:$0x2] =	wrdreg s3  }
0xa8: {  	[dreg:$0x3] =	wrdreg s4  }
0xa9: {  	[dreg:$0x4] =	wrdreg $0xC0  }
0xaa: {  	_ =	task [dreg:s7], $0x5FFFF  }
0xab: {  	[dreg:$0x1] =	wrdreg $0xFFFFFFFF  }
0xac: {  	[dreg:$0x0] =	wrdreg $0x60  }
0xad: {  	[dreg:$0x2] =	wrdreg s0  }
0xae: {  	[dreg:$0x3] =	wrdreg s17  }
0xaf: {  	[dreg:$0x4] =	wrdreg s2  }
0xb0: {  	[dreg:$0x5] =	wrdreg $0x9  }
0xb1: {  	_ =	task.clear_ibuf [dreg:s7], $0x6FFFF;
	_ =	strace $0x90000046  }
0xb2: {  	s26 =	simm.s32 $0x9;
	_ =	strace $0x80000048  }
0xb3: {  	_ =	swait.ge [sflag:s26], $0x1  }
0xb4: {  	[sflag:s26] =	ssyncadd.s32 $0xFFFFFFFF  }
0xb5: {  	_ =	strace $0x90000048  }
0xb6: {  	_ =	sfence  }
0xb7: {  	s28 =	sld [smem:$0x0];
	_ =	sdelay $0x1  }
0xb8: {  	s29 =	srdreg.scid  }
0xb9: {  	s30 =	sshll.u32 s29, $0xD;
	s31 =	sshrl.u32 s29, $0x2  }
0xba: {  	s1 =	sand.u32 $0x1, s29;
	s2 =	sand.u32 $0x4000, s30;
	s0 =	sadd.s32 s31, s28  }
0xbb: {  	s1 =	sor.u32 s2, s1;
	s0 =	sshll.u32 s0, $0x11  }
0xbc: {  	s0 =	sor.u32 s0, s1  }
0xbd: {  	s0 =	sadd.s32 $0x8F2B, s0  }
0xbe: {  	[sflag:s0] =	ssyncadd.remote.s32 $0x1  }
0xbf: {  	_ =	sfence.sel $0xFFFF  }
0xc0: {  	[dreg:$0x0] =	wrdreg $0xFFFFFFFF;
	(pc) =	sbr.abs _section_cstart, $3  }
0xc1: {  	[dreg:$0x1] =	wrdreg $0xFFFFFFFF  }
0xc2: {  	_ =	task.clear_ibuf [dreg:s7], $0x2FFFF;
	_ =	strace $0x9FFFFFFF  }
0xc3: {  	(tm) =	ssettm $0x7FFFFFFF  }
tec
execute0_lowered:
.L_overlay_start_1:
0x0: {  	(tag) =	ssettag $0x1  }
0x1: {  	s2 =	stileid.u32  }
0x2: {  	p0 =	sne.s32 s2, $0x0  }
.Ltmp0:
0x3: {  	_ = 	snop;
	(pc) =	sbr.rel @p0 .LBB2_2-.Ltmp0, $4  }
0x4: {  	s3 =	rddreg [dreg:$0x0]  }
0x5: {  	s4 =	rddreg [dreg:$0x1]  }
0x6: {  	s1 =	rddreg [dreg:$0x2]  }
0x7: {  	s0 =	rddreg [dreg:$0x3];
	_ =	strace $0x80000047  }
0x8: {  	v0 =	vimm.f32 $2.000000000e+00  }
0x9: {  	(erf) = vrcp.f32 v0;
	_ =	sdelay $0x3  }
0xa: {  	v57 =	vimm.s32 $0x0;
	_ =	sdelay $0x3  }
0xb: {  	vm0 =	vmmov $0xffff;
	s2 =	simm.s32 $0x0;
	s5 =	simm.s32 $0x1  }
0xc: {  	[tilespmem:s2], [sflag:$0x1] =	stream.indirect_vreg.gather [hbm4b:s3+s2], $0x1, v57, vm0, $0xb8;
	v58 =	vpop (erf);
	[tilespmem:$0x280] =	vst v63  }
0xd: {  	_ =	swait.ge [sflag:s5], $0x10  }
0xe: {  	[sflag:s5] =	ssyncset.done $0x0  }
0xf: {  	[sflag:s5] =	ssyncadd.s32 $0xFFFFFFF0  }
0x10: {  	v1 =	vld [tilespmem:$0x0];
	_ =	sdelay $0x4  }
0x11: {  	v1 =	vadd.f32 $1.000000000e+00, v1;
	_ =	sdelay $0x1  }
0x12: {  	v0 =	vmul.f32 v1, v58;
	_ =	sdelay $0x1  }
0x13: {  	v0 =	vmul.f32 $9.999900000e+04, v0;
	_ =	sdelay $0x1  }
0x14: {  	v59 =	vtrunc.f32 v0  }
0x15: {  	vm14 =	vcmask $0x300;
	v2 =	vimm.s32 $0x1;
	v1 =	vcvt.f32.s32 v59  }
0x16: {  	v2 =	vsel vm14, $0x0, v2  }
0x17: {  	v2 =	vadd.s32 v2, v1  }
0x18: {  	vm15 =	vlt.s32 v2, $0x1869F  }
0x19: {  	v2 =	vnsel vm15, $0x1869F, v2  }
0x1a: {  	s30 =	simm.s32 $0x2;
	s6 =	simm.s32 $0x80;
	s7 =	simm.s32 $0x100;
	[tilespmem:$0x80] =	vst v2  }
0x1b: {  	[tilespmem:s7], [sflag:$0x1] =	stream.indirect.gather [hbm4b:s4+s30], $0x80, s6, s30, $0xb8;
	[tilespmem:$0x280] =	vst v63  }
0x1c: {  	_ =	swait.ge [sflag:s5], $0x100  }
0x1d: {  	[sflag:s5] =	ssyncset.done $0x0  }
0x1e: {  	[sflag:s5] =	ssyncadd.s32 $0xFFFFFF00  }
0x1f: {  	v5 =	vld [tilespmem:$0x100]  }
0x20: {  	v6 =	vld [tilespmem:$0x180]  }
0x21: {  	v7 =	vld [tilespmem:$0x110]  }
0x22: {  	v8 =	vld [tilespmem:$0x190]  }
0x23: {  	v9 =	vld [tilespmem:$0x120]  }
0x24: {  	v10 =	vld [tilespmem:$0x1A0]  }
0x25: {  	v11 =	vld [tilespmem:$0x130]  }
0x26: {  	v12 =	vld [tilespmem:$0x1B0]  }
0x27: {  	v60 =	vld [tilespmem:$0x140]  }
0x28: {  	v61 =	vld [tilespmem:$0x1C0];
	v3 =	vmul.f32 v5, v5;
	v4 =	vmul.f32 v7, v7  }
0x29: {  	v22 =	vimm.s32 $0xFEDCBA98;
	v63 =	vld [tilespmem:$0x150];
	v13 =	vmul.f32 v6, v6;
	v14 =	vmul.f32 v8, v8  }
0x2a: {  	v22 =	vunpack.c.l.s4.s8 v22;
	v17 =	vld [tilespmem:$0x1D0];
	v16 =	vmul.f32 v9, v9;
	v15 =	vadd.f32 v4, v3  }
0x2b: {  	v18 =	vld [tilespmem:$0x160];
	v62 =	vmul.f32 v10, v10;
	v13 =	vadd.f32 v14, v13  }
0x2c: {  	v22 =	vunpack.c.0.s8.s32 v22;
	v19 =	vld [tilespmem:$0x1E0];
	v23 =	vmul.f32 v11, v11;
	v15 =	vadd.f32 v16, v15  }
0x2d: {  	v20 =	vld [tilespmem:$0x170];
	v24 =	vmul.f32 v12, v12;
	v13 =	vadd.f32 v62, v13  }
0x2e: {  	v22 =	vand.u32 $0xF, v22;
	v21 =	vld [tilespmem:$0x1F0];
	v25 =	vmul.f32 v60, v60;
	v15 =	vadd.f32 v23, v15  }
0x2f: {  	v26 =	vmul.f32 v61, v61;
	v27 =	vmul.f32 v63, v63;
	v13 =	vadd.f32 v24, v13  }
0x30: {  	v28 =	vmul.f32 v17, v17;
	v29 =	vmul.f32 v18, v18;
	v15 =	vadd.f32 v25, v15  }
0x31: {  	v30 =	vmul.f32 v19, v19;
	v23 =	vimm.s32 $0x76543210;
	v13 =	vadd.f32 v26, v13  }
0x32: {  	v32 =	vmul.f32 v20, v20;
	v31 =	vunpack.c.l.s4.s8 v23;
	v14 =	vadd.f32 v27, v15  }
0x33: {  	v33 =	vmul.f32 v21, v21;
	v24 =	vimm.s32 $0xBA98FEDC;
	v13 =	vadd.f32 v28, v13  }
0x34: {  	v25 =	vimm.s32 $0x32107654;
	v15 =	vunpack.c.0.s8.s32 v31;
	v14 =	vadd.f32 v29, v14  }
0x35: {  	v24 =	vunpack.c.l.s4.s8 v24;
	v25 =	vunpack.c.l.s4.s8 v25;
	v13 =	vadd.f32 v30, v13  }
0x36: {  	v38 =	vimm.s32 $0x54761032;
	v15 =	vcombine.low v22, v15;
	v14 =	vadd.f32 v32, v14  }
0x37: {  	v34 =	vunpack.c.0.s8.s32 v24;
	v35 =	vunpack.c.0.s8.s32 v25;
	v13 =	vadd.f32 v33, v13  }
0x38: {  	v37 =	vimm.s32 $0xDCFE98BA;
	v40 =	vunpack.c.l.s4.s8 v38;
	v36 =	vperm.xlane v14, v15  }
0x39: {  	v39 =	vunpack.c.l.s4.s8 v37;
	v16 =	vcombine.low v35, v34;
	v15 =	vperm.xlane v13, v15  }
0x3a: {  	v45 =	vimm.s32 $0x67452301;
	v41 =	vunpack.c.0.s8.s32 v40;
	v14 =	vadd.f32 v36, v14  }
0x3b: {  	v22 =	vunpack.c.0.s8.s32 v39;
	v16 =	vand.u32 $0xF, v16;
	v13 =	vadd.f32 v15, v13  }
0x3c: {  	v44 =	vimm.s32 $0xEFCDAB89;
	v23 =	vunpack.c.l.s4.s8 v45;
	v42 =	vperm.xlane v14, v16  }
0x3d: {  	v43 =	vcombine.low v41, v22;
	v22 =	vunpack.c.l.s4.s8 v44;
	v16 =	vperm.xlane v13, v16  }
0x3e: {  	v23 =	vunpack.c.0.s8.s32 v23;
	v14 =	vadd.f32 v42, v14  }
0x3f: {  	v22 =	vunpack.c.0.s8.s32 v22;
	v15 =	vand.u32 $0xF, v43;
	v13 =	vadd.f32 v16, v13  }
0x40: {  	v46 =	vperm.xlane v14, v15  }
0x41: {  	v22 =	vcombine.low v23, v22;
	v15 =	vperm.xlane v13, v15  }
0x42: {  	v14 =	vadd.f32 v46, v14  }
0x43: {  	v47 =	vand.u32 $0xF, v22;
	v13 =	vadd.f32 v15, v13  }
0x44: {  	v48 =	vperm.xlane v14, v47  }
0x45: {  	v16 =	vperm.xlane v13, v47  }
0x46: {  	v14 =	vadd.f32 v48, v14  }
0x47: {  	v13 =	vadd.f32 v16, v13  }
0x48: {  	v15 =	vshra.s32 v14, $0x1  }
0x49: {  	v14 =	vmul.f32 $5.000000000e-01, v14;
	v16 =	vshra.s32 v13, $0x1;
	v13 =	vmul.f32 $5.000000000e-01, v13  }
0x4a: {  	v15 =	vsub.s32 $0x5F3759DF, v15;
	v16 =	vsub.s32 $0x5F3759DF, v16  }
0x4b: {  	v49 =	vmul.f32 v15, v14;
	v50 =	vmul.f32 v16, v13;
	_ =	sdelay $0x1  }
0x4c: {  	v22 =	vmul.f32 v15, v49;
	v23 =	vmul.f32 v16, v50;
	_ =	sdelay $0x1  }
0x4d: {  	v22 =	vsub.f32 $1.500000000e+00, v22;
	v23 =	vsub.f32 $1.500000000e+00, v23;
	_ =	sdelay $0x1  }
0x4e: {  	v15 =	vmul.f32 v15, v22;
	v16 =	vmul.f32 v16, v23;
	_ =	sdelay $0x1  }
0x4f: {  	v22 =	vmul.f32 v15, v14;
	v23 =	vmul.f32 v16, v13;
	_ =	sdelay $0x1  }
0x50: {  	v22 =	vmul.f32 v22, v15;
	v23 =	vmul.f32 v23, v16;
	_ =	sdelay $0x1  }
0x51: {  	v22 =	vsub.f32 $1.500000000e+00, v22;
	v23 =	vsub.f32 $1.500000000e+00, v23;
	_ =	sdelay $0x1  }
0x52: {  	v15 =	vmul.f32 v22, v15;
	v16 =	vmul.f32 v23, v16;
	_ =	sdelay $0x1  }
0x53: {  	v14 =	vmul.f32 v15, v14;
	v13 =	vmul.f32 v16, v13;
	_ =	sdelay $0x1  }
0x54: {  	v14 =	vmul.f32 v14, v15;
	v13 =	vmul.f32 v13, v16;
	_ =	sdelay $0x1  }
0x55: {  	v14 =	vsub.f32 $1.500000000e+00, v14;
	v13 =	vsub.f32 $1.500000000e+00, v13;
	_ =	sdelay $0x1  }
0x56: {  	v14 =	vmul.f32 v14, v15;
	v13 =	vmul.f32 v13, v16;
	_ =	sdelay $0x1  }
0x57: {  	v1 =	vcvt.s32.f32 v1;
	v14 =	vmin.f32 v14, $1.000000000e+00;
	v13 =	vmin.f32 v13, $1.000000000e+00  }
0x58: {  	v5 =	vmul.f32 v14, v5;
	v6 =	vmul.f32 v13, v6  }
0x59: {  	v7 =	vmul.f32 v14, v7;
	v8 =	vmul.f32 v13, v8  }
0x5a: {  	v9 =	vmul.f32 v14, v9;
	v10 =	vmul.f32 v13, v10  }
0x5b: {  	v51 =	vmul.f32 v14, v11;
	v52 =	vmul.f32 v13, v12  }
0x5c: {  	v0 =	vsub.f32 v0, v1;
	v2 =	vmul.f32 v14, v60;
	v3 =	vmul.f32 v13, v61  }
0x5d: {  	v4 =	vmul.f32 v14, v63;
	v54 =	vmul.f32 v13, v17;
	v6 =	vsub.f32 v6, v5  }
0x5e: {  	v55 =	vmul.f32 v14, v18;
	v56 =	vmul.f32 v13, v19;
	v8 =	vsub.f32 v8, v7  }
0x5f: {  	v14 =	vmul.f32 v14, v20;
	v10 =	vsub.f32 v10, v9;
	v6 =	vmul.f32 v6, v0  }
0x60: {  	v13 =	vmul.f32 v13, v21;
	v11 =	vsub.f32 v52, v51;
	v8 =	vmul.f32 v8, v0  }
0x61: {  	v3 =	vsub.f32 v3, v2;
	v10 =	vmul.f32 v10, v0;
	v5 =	vadd.f32 v6, v5  }
0x62: {  	v58 =	vsub.f32 v56, v55;
	v11 =	vmul.f32 v11, v0;
	v53 =	vadd.f32 v8, v7  }
0x63: {  	v3 =	vmul.f32 v3, v0;
	v7 =	vsub.f32 v54, v4;
	v57 =	vadd.f32 v10, v9;
	[tilespmem:$0x200] =	vst v5  }
0x64: {  	v60 =	vsub.f32 v13, v14;
	v61 =	vmul.f32 v58, v0;
	v1 =	vadd.f32 v11, v51;
	[tilespmem:$0x210] =	vst v53  }
0x65: {  	v2 =	vadd.f32 v3, v2;
	v59 =	vmul.f32 v7, v0;
	[tilespmem:$0x220] =	vst v57  }
0x66: {  	v63 =	vadd.f32 v61, v55;
	[tilespmem:$0x230] =	vst v1;
	v0 =	vmul.f32 v60, v0  }
0x67: {  	[tilespmem:$0x240] =	vst v2;
	v62 =	vadd.f32 v59, v4  }
0x68: {  	[tilespmem:$0x260] =	vst v63;
	v0 =	vadd.f32 v0, v14  }
0x69: {  	[tilespmem:$0x250] =	vst v62  }
0x6a: {  	s31 =	simm.s32 $0x200;
	[tilespmem:$0x270] =	vst v0  }
0x6b: {  	[hbm4b:s1+s2] =	stream.linear.scatter [tilespmem:s31], [sflag:$0x2], $0x80, $0x38;
	[tilespmem:$0x280] =	vst v63  }
0x6c: {  	_ =	swait.ge [sflag:s30], $0x80  }
0x6d: {  	[sflag:s30] =	ssyncset.done $0x0  }
0x6e: {  	[sflag:s30] =	ssyncadd.s32 $0xFFFFFF80  }
.LBB2_2:
0x6f: {  	_ =	sfence.sel $0x180000  }
0x70: {  	[bflag:$0x0] =	sbarrier.arrive $0xFFFF  }
0x71: {  	_ =	strace $0x90000047  }
0x72: {  	s0 =	sadd.s32 @!p0 $0x100000, s0;
	[bflag:$0x2] =	sbarrier.arrive $0xFFFF  }
0x73: {  	[sflag:s0] =	ssyncadd.tile.s32 @!p0 $0x1;
	_ =	shalt  }
.Lfunc_end2:
_tile_overlayer_lowered:
.L_overlay_start_2:
0x74: {  	(tag) =	ssettag $0x2  }
0x75: {  	s0 =	rddreg [dreg:$0x0];
	s2 =	stileid.u32  }
0x76: {  	s1 =	rddreg [dreg:$0x1];
	p0 =	sne.s32 s2, $0x0  }
0x77: {  	s3 =	rddreg [dreg:$0x2];
	[bflag:$0x3] =	sbarrier.arrive $0xFFFF;
	s2 =	simm.s32 @!p0 $0x1C02  }
0x78: {  	[timem:s3], [sflag:s2] =	dma.local @!p0 [hbm:s0], s1  }
0x79: {  	s0 =	simm.s32 @!p0 $0x2  }
0x7a: {  	_ =	swait.ge @!p0 [sflag:s0], s1  }
0x7b: {  	s1 =	ssub.s32 @!p0 $0x0, s1;
	[sflag:s0] =	ssyncset.done @!p0 $0x0  }
0x7c: {  	[sflag:s0] =	ssyncadd.s32 @!p0 s1  }
0x7d: {  	[bflag:$0x3] =	sbarrier.arrive $0xFFFF  }
0x7e: {  	_ =	shalt  }

</sc_bundles>
